<compile_context>
chip_gen: v7x
topology: tpu7x:2x2x1
jax: 0.10.2.dev20260603
libtpu: 0.0.44.dev20260713+nightly
codegen_flags: <defaults>
</compile_context>

<pallas_src>
import functools

import jax
import jax.numpy as jnp
from jax import lax
from jax.experimental import pallas as pl
from jax.experimental.pallas import tpu as pltpu
from jax.experimental.pallas import tpu_sc as plsc

_TIMESTEPS = 1000
_B = 16384
_NC, _NS, _L = 1, 16, 16
_NW = _NC * _NS
_CHUNK = _B // _NW
_HALF = _CHUNK // 2
_NVEC = _CHUNK // _L
_TBL = _TIMESTEPS + 1

_mesh = plsc.VectorSubcoreMesh(
    core_axis_name="c", subcore_axis_name="s", num_cores=1
)


@functools.partial(
    pl.kernel,
    out_type=jax.ShapeDtypeStruct((_B,), jnp.float32),
    mesh=_mesh,
    scratch_types=[
        pltpu.VMEM((_CHUNK,), jnp.float32),
        pltpu.VMEM((_TBL,), jnp.float32),
        pltpu.VMEM((_CHUNK,), jnp.float32),
        pltpu.SemaphoreType.DMA,
        pltpu.SemaphoreType.DMA,
        pltpu.SemaphoreType.DMA,
        pltpu.SemaphoreType.DMA,
    ],
    compiler_params=pltpu.CompilerParams(needs_layout_passes=False),
)
def _betas_lookup(
    t_hbm, betas_hbm, out_hbm, t_v, tbl_v, out_v, sem_t, sem_b, sem_o0, sem_o1
):
    wid = lax.axis_index("s")
    base = wid * _CHUNK
    cp_t = pltpu.async_copy(t_hbm.at[pl.ds(base, _CHUNK)], t_v, sem_t)
    cp_b = pltpu.async_copy(betas_hbm, tbl_v, sem_b)
    cp_t.wait()
    cp_b.wait()

    def step(i):
        x = t_v[pl.ds(i, _L)] * jnp.float32(_TIMESTEPS)
        y = x + jnp.float32(0.5)
        idx = y.astype(jnp.int32)
        tie = idx.astype(jnp.float32) == y
        idx = idx - jnp.where(tie, idx & 1, 0)
        out_v[pl.ds(i, _L)] = plsc.load_gather(tbl_v, [idx])

    plsc.parallel_loop(0, _HALF, _L, unroll=4)(step)
    cp_o0 = pltpu.async_copy(
        out_v.at[pl.ds(0, _HALF)], out_hbm.at[pl.ds(base, _HALF)], sem_o0
    )
    plsc.parallel_loop(_HALF, _CHUNK, _L, unroll=4)(step)
    cp_o1 = pltpu.async_copy(
        out_v.at[pl.ds(_HALF, _HALF)], out_hbm.at[pl.ds(base + _HALF, _HALF)], sem_o1
    )
    cp_o0.wait()
    cp_o1.wait()


def kernel(t_normalized, betas):
    return _betas_lookup(t_normalized, betas)

# --- scband reference (transcript-rebuilt; emitter-appended) ---
"""Pipeline reference for scband-predefined-noise-schedule-discrete-30846455120093 (READ-ONLY COPY).

The authoritative reference and input builder live on the scoring server;
editing this copy changes nothing except your own understanding.
"""

import jax, jax.numpy as jnp
import numpy as np

TIMESTEPS = 1000

def _cosine_betas(timesteps, s=0.008):
    steps = timesteps + 2
    x = np.linspace(0, steps, steps)
    alphas_cumprod = np.cos(0.5 * np.pi * (x / steps + s) / (1 + s)) ** 2
    alphas_cumprod = alphas_cumprod / alphas_cumprod[0]
    alphas = alphas_cumprod[1:] / alphas_cumprod[:-1]
    betas = 1 - alphas
    return betas.squeeze()

def setup_inputs(seed: int = 0) -> dict:
    key = jax.random.key(seed)
    t_normalized = jax.random.uniform(key, (16384,), dtype=jnp.float32)
    betas = jnp.asarray(_cosine_betas(TIMESTEPS), dtype=jnp.float32)  # shape [timesteps+1] = [1001]
    return {"t_normalized": t_normalized, "betas": betas}

def reference(t_normalized, betas):
    # forward(t_normalized=...): t_int = round(t_normalized * timesteps); return betas[t_int]
    t_int = jnp.round(t_normalized * TIMESTEPS).astype(jnp.int32)
    return jnp.take(betas, t_int, axis=0)

if __name__ == "__main__":
    import jax
    _d = setup_inputs()
    print(jax.jit(kernel)(*tuple(_d.values())))

</pallas_src>

<mosaic_0001>
#map = affine_map<(d0, d1) -> (0)>
module attributes {stable_mosaic.version = 14 : i64} {
  func.func @_betas_lookup(%arg0: i32, %arg1: i32, %arg2: memref<16384xf32, #tpu.memory_space<hbm>>, %arg3: memref<1001xf32, #tpu.memory_space<hbm>>, %arg4: memref<16384xf32, #tpu.memory_space<hbm>>, %arg5: memref<1024xf32, #tpu.memory_space<vmem>>, %arg6: memref<1001xf32, #tpu.memory_space<vmem>>, %arg7: memref<1024xf32, #tpu.memory_space<vmem>>, %arg8: memref<!tpu.dma_semaphore, #tpu.memory_space<semaphore_mem>>, %arg9: memref<!tpu.dma_semaphore, #tpu.memory_space<semaphore_mem>>, %arg10: memref<!tpu.dma_semaphore, #tpu.memory_space<semaphore_mem>>, %arg11: memref<!tpu.dma_semaphore, #tpu.memory_space<semaphore_mem>>) attributes {dimension_semantics = [#tpu.dimension_semantics<core_parallel>, #tpu.dimension_semantics<subcore_parallel>], iteration_bounds = array<i64: 1, 16>, scalar_prefetch = 0 : i64, scratch_operands = 7 : i64, tpu.core_type = #tpu.core_type<sc_vector_subcore>, window_params = [{transform_indices = #map}, {transform_indices = #map}, {transform_indices = #map}]} {
    %mul3A = arith.constant 1024 : i32
    %mul3A_0 = arith.muli %arg1, %mul3A : i32
    %dma_start3A = tpu.memref_slice %arg2[%mul3A_0] : memref<16384xf32, #tpu.memory_space<hbm>> -> memref<1024xf32, #tpu.memory_space<hbm>>
    %dma_start3A_1 = tpu.memref_slice %arg2[%mul3A_0] : memref<16384xf32, #tpu.memory_space<hbm>> -> memref<1024xf32, #tpu.memory_space<hbm>>
    tpu.enqueue_dma source(%dma_start3A_1 : memref<1024xf32, #tpu.memory_space<hbm>>) target(%arg5 : memref<1024xf32, #tpu.memory_space<vmem>>) target_semaphore(%arg8 : memref<!tpu.dma_semaphore, #tpu.memory_space<semaphore_mem>>)
    tpu.enqueue_dma source(%arg3 : memref<1001xf32, #tpu.memory_space<hbm>>) target(%arg6 : memref<1001xf32, #tpu.memory_space<vmem>>) target_semaphore(%arg9 : memref<!tpu.dma_semaphore, #tpu.memory_space<semaphore_mem>>)
    %dma_wait3A = tpu.memref_slice %arg2[%mul3A_0] : memref<16384xf32, #tpu.memory_space<hbm>> -> memref<1024xf32, #tpu.memory_space<hbm>>
    %dma_wait3A_2 = tpu.memref_slice %arg2[%mul3A_0] : memref<16384xf32, #tpu.memory_space<hbm>> -> memref<1024xf32, #tpu.memory_space<hbm>>
    tpu.wait_dma2 semaphore(%arg8 : memref<!tpu.dma_semaphore, #tpu.memory_space<semaphore_mem>>) src(%dma_wait3A_2 : memref<1024xf32, #tpu.memory_space<hbm>>) dst(%arg5 : memref<1024xf32, #tpu.memory_space<vmem>>)
    tpu.wait_dma2 semaphore(%arg9 : memref<!tpu.dma_semaphore, #tpu.memory_space<semaphore_mem>>) src(%arg3 : memref<1001xf32, #tpu.memory_space<hbm>>) dst(%arg6 : memref<1001xf32, #tpu.memory_space<vmem>>)
    %parallel_loop3A = arith.constant 0 : i32
    %parallel_loop3A_3 = arith.constant 512 : i32
    %parallel_loop3A_4 = arith.constant 16 : i32
    scf.for %parallel_loop3A_33 = %parallel_loop3A to %parallel_loop3A_3 step %parallel_loop3A_4  : i32 {
      %parallel_loop3A_34 = arith.index_cast %parallel_loop3A_33 : i32 to index
      %parallel_loop3A_35 = tpu.vector_load %arg5[%parallel_loop3A_34] {strides = array<i32>} : memref<1024xf32, #tpu.memory_space<vmem>>, vector<16xf32>,
      %parallel_loop3A_36 = arith.constant 1.000000e+03 : f32
      %parallel_loop3A_37 = vector.broadcast %parallel_loop3A_36 : f32 to vector<16xf32>
      %parallel_loop3A_38 = arith.mulf %parallel_loop3A_35, %parallel_loop3A_37 : vector<16xf32>
      %parallel_loop3A_39 = arith.constant 5.000000e-01 : f32
      %parallel_loop3A_40 = vector.broadcast %parallel_loop3A_39 : f32 to vector<16xf32>
      %parallel_loop3A_41 = arith.addf %parallel_loop3A_38, %parallel_loop3A_40 : vector<16xf32>
      %parallel_loop3A_42 = arith.fptosi %parallel_loop3A_41 : vector<16xf32> to vector<16xi32>
      %parallel_loop3A_43 = arith.sitofp %parallel_loop3A_42 : vector<16xi32> to vector<16xf32>
      %parallel_loop3A_44 = arith.cmpf oeq, %parallel_loop3A_43, %parallel_loop3A_41 : vector<16xf32>
      %parallel_loop3A_45 = arith.constant 1 : i32
      %parallel_loop3A_46 = vector.broadcast %parallel_loop3A_45 : i32 to vector<16xi32>
      %parallel_loop3A_47 = arith.andi %parallel_loop3A_42, %parallel_loop3A_46 : vector<16xi32>
      %parallel_loop3A_48 = arith.constant 0 : i32
      %parallel_loop3A_49 = vector.broadcast %parallel_loop3A_48 : i32 to vector<16xi32>
      %parallel_loop3A_50 = arith.select %parallel_loop3A_44, %parallel_loop3A_47, %parallel_loop3A_49 : vector<16xi1>, vector<16xi32>
      %parallel_loop3A_51 = arith.subi %parallel_loop3A_42, %parallel_loop3A_50 : vector<16xi32>
      %parallel_loop3A_52 = tpu.vector_load_idx %arg6[%parallel_loop3A_51] : memref<1001xf32, #tpu.memory_space<vmem>>[vector<16xi32>], vector<16xf32>,
      %parallel_loop3A_53 = arith.index_cast %parallel_loop3A_33 : i32 to index
      %parallel_loop3A_54 = tpu.vector_load %arg7[%parallel_loop3A_53] {strides = array<i32>} : memref<1024xf32, #tpu.memory_space<vmem>>, vector<16xf32>,
      tpu.vector_store %arg7[%parallel_loop3A_53], %parallel_loop3A_52 {strides = array<i32>} : memref<1024xf32, #tpu.memory_space<vmem>>, vector<16xf32>,
    } {sc.loop_unroll_factor = 4 : i64, sc.parallel_access}
    %dma_start3A_5 = arith.constant 0 : i32
    %dma_start3A_6 = tpu.memref_slice %arg7[%dma_start3A_5] : memref<1024xf32, #tpu.memory_space<vmem>> -> memref<512xf32, #tpu.memory_space<vmem>>
    %dma_start3A_7 = tpu.memref_slice %arg4[%mul3A_0] : memref<16384xf32, #tpu.memory_space<hbm>> -> memref<512xf32, #tpu.memory_space<hbm>>
    %dma_start3A_8 = tpu.memref_slice %arg4[%mul3A_0] : memref<16384xf32, #tpu.memory_space<hbm>> -> memref<512xf32, #tpu.memory_space<hbm>>
    %dma_start3A_9 = arith.constant 0 : i32
    %dma_start3A_10 = tpu.memref_slice %arg7[%dma_start3A_9] : memref<1024xf32, #tpu.memory_space<vmem>> -> memref<512xf32, #tpu.memory_space<vmem>>
    tpu.enqueue_dma source(%dma_start3A_10 : memref<512xf32, #tpu.memory_space<vmem>>) target(%dma_start3A_8 : memref<512xf32, #tpu.memory_space<hbm>>) target_semaphore(%arg10 : memref<!tpu.dma_semaphore, #tpu.memory_space<semaphore_mem>>)
    %parallel_loop3A_11 = arith.constant 512 : i32
    %parallel_loop3A_12 = arith.constant 1024 : i32
    %parallel_loop3A_13 = arith.constant 16 : i32
    scf.for %parallel_loop3A_33 = %parallel_loop3A_11 to %parallel_loop3A_12 step %parallel_loop3A_13  : i32 {
      %parallel_loop3A_34 = arith.index_cast %parallel_loop3A_33 : i32 to index
      %parallel_loop3A_35 = tpu.vector_load %arg5[%parallel_loop3A_34] {strides = array<i32>} : memref<1024xf32, #tpu.memory_space<vmem>>, vector<16xf32>,
      %parallel_loop3A_36 = arith.constant 1.000000e+03 : f32
      %parallel_loop3A_37 = vector.broadcast %parallel_loop3A_36 : f32 to vector<16xf32>
      %parallel_loop3A_38 = arith.mulf %parallel_loop3A_35, %parallel_loop3A_37 : vector<16xf32>
      %parallel_loop3A_39 = arith.constant 5.000000e-01 : f32
      %parallel_loop3A_40 = vector.broadcast %parallel_loop3A_39 : f32 to vector<16xf32>
      %parallel_loop3A_41 = arith.addf %parallel_loop3A_38, %parallel_loop3A_40 : vector<16xf32>
      %parallel_loop3A_42 = arith.fptosi %parallel_loop3A_41 : vector<16xf32> to vector<16xi32>
      %parallel_loop3A_43 = arith.sitofp %parallel_loop3A_42 : vector<16xi32> to vector<16xf32>
      %parallel_loop3A_44 = arith.cmpf oeq, %parallel_loop3A_43, %parallel_loop3A_41 : vector<16xf32>
      %parallel_loop3A_45 = arith.constant 1 : i32
      %parallel_loop3A_46 = vector.broadcast %parallel_loop3A_45 : i32 to vector<16xi32>
      %parallel_loop3A_47 = arith.andi %parallel_loop3A_42, %parallel_loop3A_46 : vector<16xi32>
      %parallel_loop3A_48 = arith.constant 0 : i32
      %parallel_loop3A_49 = vector.broadcast %parallel_loop3A_48 : i32 to vector<16xi32>
      %parallel_loop3A_50 = arith.select %parallel_loop3A_44, %parallel_loop3A_47, %parallel_loop3A_49 : vector<16xi1>, vector<16xi32>
      %parallel_loop3A_51 = arith.subi %parallel_loop3A_42, %parallel_loop3A_50 : vector<16xi32>
      %parallel_loop3A_52 = tpu.vector_load_idx %arg6[%parallel_loop3A_51] : memref<1001xf32, #tpu.memory_space<vmem>>[vector<16xi32>], vector<16xf32>,
      %parallel_loop3A_53 = arith.index_cast %parallel_loop3A_33 : i32 to index
      %parallel_loop3A_54 = tpu.vector_load %arg7[%parallel_loop3A_53] {strides = array<i32>} : memref<1024xf32, #tpu.memory_space<vmem>>, vector<16xf32>,
      tpu.vector_store %arg7[%parallel_loop3A_53], %parallel_loop3A_52 {strides = array<i32>} : memref<1024xf32, #tpu.memory_space<vmem>>, vector<16xf32>,
    } {sc.loop_unroll_factor = 4 : i64, sc.parallel_access}
    %add3A = arith.constant 512 : i32
    %add3A_14 = arith.addi %mul3A_0, %add3A : i32
    %dma_start3A_15 = arith.constant 512 : i32
    %dma_start3A_16 = tpu.memref_slice %arg7[%dma_start3A_15] : memref<1024xf32, #tpu.memory_space<vmem>> -> memref<512xf32, #tpu.memory_space<vmem>>
    %dma_start3A_17 = tpu.memref_slice %arg4[%add3A_14] : memref<16384xf32, #tpu.memory_space<hbm>> -> memref<512xf32, #tpu.memory_space<hbm>>
    %dma_start3A_18 = tpu.memref_slice %arg4[%add3A_14] : memref<16384xf32, #tpu.memory_space<hbm>> -> memref<512xf32, #tpu.memory_space<hbm>>
    %dma_start3A_19 = arith.constant 512 : i32
    %dma_start3A_20 = tpu.memref_slice %arg7[%dma_start3A_19] : memref<1024xf32, #tpu.memory_space<vmem>> -> memref<512xf32, #tpu.memory_space<vmem>>
    tpu.enqueue_dma source(%dma_start3A_20 : memref<512xf32, #tpu.memory_space<vmem>>) target(%dma_start3A_18 : memref<512xf32, #tpu.memory_space<hbm>>) target_semaphore(%arg11 : memref<!tpu.dma_semaphore, #tpu.memory_space<semaphore_mem>>)
    %dma_wait3A_21 = arith.constant 0 : i32
    %dma_wait3A_22 = tpu.memref_slice %arg7[%dma_wait3A_21] : memref<1024xf32, #tpu.memory_space<vmem>> -> memref<512xf32, #tpu.memory_space<vmem>>
    %dma_wait3A_23 = tpu.memref_slice %arg4[%mul3A_0] : memref<16384xf32, #tpu.memory_space<hbm>> -> memref<512xf32, #tpu.memory_space<hbm>>
    %dma_wait3A_24 = tpu.memref_slice %arg4[%mul3A_0] : memref<16384xf32, #tpu.memory_space<hbm>> -> memref<512xf32, #tpu.memory_space<hbm>>
    %dma_wait3A_25 = arith.constant 0 : i32
    %dma_wait3A_26 = tpu.memref_slice %arg7[%dma_wait3A_25] : memref<1024xf32, #tpu.memory_space<vmem>> -> memref<512xf32, #tpu.memory_space<vmem>>
    tpu.wait_dma2 semaphore(%arg10 : memref<!tpu.dma_semaphore, #tpu.memory_space<semaphore_mem>>) src(%dma_wait3A_26 : memref<512xf32, #tpu.memory_space<vmem>>) dst(%dma_wait3A_24 : memref<512xf32, #tpu.memory_space<hbm>>)
    %dma_wait3A_27 = arith.constant 512 : i32
    %dma_wait3A_28 = tpu.memref_slice %arg7[%dma_wait3A_27] : memref<1024xf32, #tpu.memory_space<vmem>> -> memref<512xf32, #tpu.memory_space<vmem>>
    %dma_wait3A_29 = tpu.memref_slice %arg4[%add3A_14] : memref<16384xf32, #tpu.memory_space<hbm>> -> memref<512xf32, #tpu.memory_space<hbm>>
    %dma_wait3A_30 = tpu.memref_slice %arg4[%add3A_14] : memref<16384xf32, #tpu.memory_space<hbm>> -> memref<512xf32, #tpu.memory_space<hbm>>
    %dma_wait3A_31 = arith.constant 512 : i32
    %dma_wait3A_32 = tpu.memref_slice %arg7[%dma_wait3A_31] : memref<1024xf32, #tpu.memory_space<vmem>> -> memref<512xf32, #tpu.memory_space<vmem>>
    tpu.wait_dma2 semaphore(%arg11 : memref<!tpu.dma_semaphore, #tpu.memory_space<semaphore_mem>>) src(%dma_wait3A_32 : memref<512xf32, #tpu.memory_space<vmem>>) dst(%dma_wait3A_30 : memref<512xf32, #tpu.memory_space<hbm>>)
    return
  }
}

</mosaic_0001>

<sc_bundles>
// kernel: kernel.3.cloned.1.call-start
scs
__scs_entry_jumppad:
0x0: {  	(pc) =	sbr.rel $0x88, $3  }
0x1: {  	(tag) =	ssettag $0x0;
	lr =	simm.s32 $0x1  }
0x2: {  	[smem:$0x3F9F] =	sst lr;
	_ =	strace $0xD0000000  }
0x3: {  	_ = 	snop  }
0x4: {  	_ = 	snop  }
0x5: {  	_ = 	snop  }
0x6: {  	_ = 	snop  }
0x7: {  	_ = 	snop  }
__scs_overlays_trampoline_lowered:
0x8: {  	[smem:$0x3FAE] =	sst s0  }
0x9: {  	[smem:$0x3FAF] =	sst s1  }
0xa: {  	[smem:$0x3FB0] =	sst s2  }
0xb: {  	[smem:$0x3FB1] =	sst s3  }
0xc: {  	[smem:$0x3FB2] =	sst s4  }
0xd: {  	[smem:$0x3FB3] =	sst s5  }
0xe: {  	[smem:$0x3FB4] =	sst s6  }
0xf: {  	[smem:$0x3FB5] =	sst s7  }
0x10: {  	[smem:$0x3FB6] =	sst s8  }
0x11: {  	[smem:$0x3FB7] =	sst s9;
	s0 =	simm.s32 @!p0 $0x0  }
0x12: {  	s1 =	sld [smem:$0x3F9D];
	s0 =	simm.s32 @p0 $0x1  }
0x13: {  	[smem:$0x3FB8] =	sst s0;
	s0 =	simm.s32 @!p1 $0x0  }
0x14: {  	s2 =	sld [smem:$0x3F9C];
	s0 =	simm.s32 @p1 $0x1  }
0x15: {  	[smem:$0x3FB9] =	sst s0;
	s0 =	simm.s32 @!p2 $0x0  }
0x16: {  	s3 =	sld [smem:$0x3FDB];
	s0 =	simm.s32 @p2 $0x1  }
0x17: {  	s4 =	simm.s32 $0x1BF5;
	[smem:$0x3FBB] =	sst s0  }
0x18: {  	s0 =	sld [smem:$0x3F9E];
	_ =	swait.ge [sflag:s4], $0x0  }
0x19: {  	s7 =	sld [smem:$0x3F9F]  }
0x1a: {  	s8 =	sadd.s32 $0xFFFFE003, lr  }
0x1b: {  	s9 =	sadd.s32 $0xFFFFFEF7, lr;
	s5 =	simm.s32 $0xFFFFFFFF;
	p2 =	slt.u32 s8, $0xFFFFF086  }
0x1c: {  	p1 =	slt.u32 s9, $0xF7A;
	s5 =	simm.s32 @!p2 $0x0  }
0x1d: {  	s5 =	simm.s32 @p1 $0x1;
	p0 =	seq.s32 s7, s2  }
0x1e: {  	s7 =	smul.u32 @!p0 $0xF7A, s2;
	p2 =	seq.s32 @!p0 s5, $0x0  }
0x1f: {  	s9 =	smul.u32 $0xF7A, s1;
	s8 =	simm.s32 @!p0 $0x1BF5;
	p2 =	por !p2, p0  }
0x20: {  	[sflag:s8] =	ssyncset.s32 @!p0 $0xFFFFF086;
	s6 =	sadd.s32 @!p0 s3, s7;
	s7 =	simm.s32 @!p0 $0x108  }
0x21: {  	s3 =	sadd.s32 s3, s9;
	s6 =	sadd.s32 @!p0 $0x88, s6;
	s7 =	simm.s32 @p2 $0x1082  }
0x22: {  	[simem:s7], [sflag:s8] =	dma.local @!p0 [hbm:s6], $0xF7A  }
0x23: {  	s9 =	sor.u32 $0xD0000000, s2;
	s6 =	simm.s32 $0x108;
	_ =	swait.ge @!p0 [sflag:s8], $0x0  }
0x24: {  	s3 =	sadd.s32 $0x88, s3;
	s6 =	simm.s32 @!p1 $0x1082;
	[sflag:s4] =	ssyncset.s32 $0xFFFFF086  }
0x25: {  	[simem:s6], [sflag:s4] =	dma.local [hbm:s3], $0xF7A  }
0x26: {  	[smem:$0x3F9F] =	sst s1;
	(tag) =	ssettag s2;
	_ =	strace s9  }
0x27: {  	s1 =	sld [smem:$0x3FAF]  }
0x28: {  	s2 =	sld [smem:$0x3FB0]  }
0x29: {  	s4 =	sld [smem:$0x3FB2]  }
0x2a: {  	p0 =	seq.s32 s5, $0x0;
	s5 =	sld [smem:$0x3FB3]  }
0x2b: {  	s6 =	sld [smem:$0x3FB4]  }
0x2c: {  	s7 =	sld [smem:$0x3FB5]  }
0x2d: {  	s3 =	simm.s32 $0x108;
	s8 =	sld [smem:$0x3FB6]  }
0x2e: {  	s3 =	simm.s32 @!p0 $0x1082;
	s9 =	sld [smem:$0x3FB7]  }
0x2f: {  	lr =	sadd.s32 s0, s3;
	s0 =	sld [smem:$0x3FAE]  }
0x30: {  	s3 =	sld [smem:$0x3FB1]  }
0x31: {  	[smem:$0x3FBA] =	sst s10  }
0x32: {  	s10 =	sld [smem:$0x3FB8];
	_ =	sdelay $0x3  }
0x33: {  	p0 =	seq.s32 s10, $0x1;
	s10 =	sld [smem:$0x3FBA];
	_ =	sdelay $0x3  }
0x34: {  	[smem:$0x3FBA] =	sst s10  }
0x35: {  	s10 =	sld [smem:$0x3FB9];
	_ =	sdelay $0x3  }
0x36: {  	p1 =	seq.s32 s10, $0x1;
	s10 =	sld [smem:$0x3FBA];
	_ =	sdelay $0x3  }
0x37: {  	[smem:$0x3FBA] =	sst s10  }
0x38: {  	s10 =	sld [smem:$0x3FBB]  }
0x39: {  	_ = 	snop;
	(pc) =	sbr.ind lr, $3  }
0x3a: {  	_ = 	snop  }
0x3b: {  	_ = 	snop  }
0x3c: {  	p2 =	seq.s32 s10, $0x1;
	s10 =	sld [smem:$0x3FBA]  }
0x3d: {  	_ =	shalt  }
0x3e: {  	_ =	shalt  }
0x3f: {  	_ =	shalt  }
0x40: {  	_ =	shalt  }
0x41: {  	_ =	shalt  }
0x42: {  	_ =	shalt  }
0x43: {  	_ =	shalt  }
0x44: {  	_ =	shalt  }
0x45: {  	_ =	shalt  }
0x46: {  	_ =	shalt  }
0x47: {  	_ =	shalt  }
0x48: {  	_ =	shalt  }
0x49: {  	_ =	shalt  }
0x4a: {  	_ =	shalt  }
0x4b: {  	_ =	shalt  }
0x4c: {  	_ =	shalt  }
0x4d: {  	_ =	shalt  }
0x4e: {  	_ =	shalt  }
0x4f: {  	_ =	shalt  }
0x50: {  	_ =	shalt  }
0x51: {  	_ =	shalt  }
0x52: {  	_ =	shalt  }
0x53: {  	_ =	shalt  }
0x54: {  	_ =	shalt  }
0x55: {  	_ =	shalt  }
0x56: {  	_ =	shalt  }
0x57: {  	_ =	shalt  }
0x58: {  	_ =	shalt  }
0x59: {  	_ =	shalt  }
0x5a: {  	_ =	shalt  }
0x5b: {  	_ =	shalt  }
0x5c: {  	_ =	shalt  }
0x5d: {  	_ =	shalt  }
0x5e: {  	_ =	shalt  }
0x5f: {  	_ =	shalt  }
0x60: {  	_ =	shalt  }
0x61: {  	_ =	shalt  }
0x62: {  	_ =	shalt  }
0x63: {  	_ =	shalt  }
0x64: {  	_ =	shalt  }
0x65: {  	_ =	shalt  }
0x66: {  	_ =	shalt  }
0x67: {  	_ =	shalt  }
0x68: {  	_ =	shalt  }
0x69: {  	_ =	shalt  }
0x6a: {  	_ =	shalt  }
0x6b: {  	_ =	shalt  }
0x6c: {  	_ =	shalt  }
0x6d: {  	_ =	shalt  }
0x6e: {  	_ =	shalt  }
0x6f: {  	_ =	shalt  }
0x70: {  	_ =	shalt  }
0x71: {  	_ =	shalt  }
0x72: {  	_ =	shalt  }
0x73: {  	_ =	shalt  }
0x74: {  	_ =	shalt  }
0x75: {  	_ =	shalt  }
0x76: {  	_ =	shalt  }
0x77: {  	_ =	shalt  }
0x78: {  	_ =	shalt  }
0x79: {  	_ =	shalt  }
0x7a: {  	_ =	shalt  }
0x7b: {  	_ =	shalt  }
0x7c: {  	_ =	shalt  }
0x7d: {  	_ =	shalt  }
0x7e: {  	_ =	shalt  }
0x7f: {  	_ =	shalt  }
0x80: {  	_ =	shalt  }
0x81: {  	_ =	shalt  }
0x82: {  	_ =	shalt  }
0x83: {  	_ =	shalt  }
0x84: {  	_ =	shalt  }
0x85: {  	_ =	shalt  }
0x86: {  	_ =	shalt  }
0x87: {  	_ =	shalt  }
.Lfunc_end0:
.L_simem_size_0:
called_computation_lowered:
.L_overlay_start_0:
0x88: {  	s0 =	sld [smem:$0x3FD9]  }
0x89: {  	s1 =	sld [smem:$0x3FFE];
	_ =	sdelay $0x3  }
0x8a: {  	s0 =	sadd.s32 s1, s0  }
0x8b: {  	[smem:$0x3FC6] =	sst s0  }
0x8c: {  	_ = 	snop  }
0x8d: {  	s0 =	sld [smem:$0x3FC9]  }
0x8e: {  	s17 =	sld [smem:$0x3FC8]  }
0x8f: {  	s2 =	sld [smem:$0x3FD0];
	(tm) =	ssettm $0x1  }
0x90: {  	s3 =	sld [smem:$0x3FFB];
	_ =	sdelay $0x3  }
0x91: {  	_ =	strace s3  }
0x92: {  	s3 =	sld [smem:$0x3FFC];
	_ =	sdelay $0x3  }
0x93: {  	_ =	strace s3  }
0x94: {  	s3 =	sld [smem:$0x3FFD];
	_ =	sdelay $0x3  }
0x95: {  	_ =	strace s3  }
0x96: {  	_ =	strace $0x8FFFFFFF  }
0x97: {  	s18 =	sld [smem:$0x3FDB];
	_ =	sdelay $0x1  }
0x98: {  	s4 =	simm.s32 $_scs_section_size  }
0x99: {  	s5 =	simm.s32 $_size__tile_overlayer_lowered;
	s6 =	simm.s32 $_tile_overlayer_lowered  }
0x9a: {  	s21 =	simm.s32 $0x1BFF;
	s20 =	sshll.u32 s6, $0x1;
	s3 =	sadd.s32 s4, s18  }
0x9b: {  	s7 =	simm.s32 $0x0;
	s19 =	sshll.u32 s5, $0x1;
	s5 =	sadd.s32 s20, s3  }
0x9c: {  	[timem:s7], [sflag:s21] =	dma.local [hbm:s5], s19  }
0x9d: {  	_ =	swait.ge [sflag:s21], s19  }
0x9e: {  	s4 =	ssub.s32 $0x0, s19;
	[sflag:s21] =	ssyncset.done $0x0  }
0x9f: {  	[sflag:s21] =	ssyncadd.s32 s4;
	_ =	sdelay $0x1  }
0xa0: {  	s22 =	simm.s32 $0x1B8B  }
0xa1: {  	_ =	swait.ge [sflag:s22], $0x1  }
0xa2: {  	[sflag:s22] =	ssyncset.done $0x0  }
0xa3: {  	s23 =	simm.s32 $0x1B8E;
	[sflag:s22] =	ssyncadd.s32 $0xFFFFFFFF  }
0xa4: {  	s24 =	simm.s32 $execute0_lowered;
	[smem:$0x3FD2] =	sst s23  }
0xa5: {  	s4 =	sshll.u32 s24, $0x1;
	_ =	strace $0x80000046;
	[dreg:$0x1] =	wrdreg $0xFFFFFFFF  }
0xa6: {  	s25 =	simm.s32 $_size_execute0_lowered;
	s3 =	sadd.s32 s3, s4;
	[dreg:$0x0] =	wrdreg $0x0  }
0xa7: {  	s4 =	sshll.u32 s25, $0x1;
	[dreg:$0x2] =	wrdreg s3  }
0xa8: {  	[dreg:$0x3] =	wrdreg s4  }
0xa9: {  	[dreg:$0x4] =	wrdreg $0xC0  }
0xaa: {  	_ =	task [dreg:s7], $0x5FFFF  }
0xab: {  	[dreg:$0x1] =	wrdreg $0xFFFFFFFF  }
0xac: {  	[dreg:$0x0] =	wrdreg $0x60  }
0xad: {  	[dreg:$0x2] =	wrdreg s0  }
0xae: {  	[dreg:$0x3] =	wrdreg s17  }
0xaf: {  	[dreg:$0x4] =	wrdreg s2  }
0xb0: {  	[dreg:$0x5] =	wrdreg $0x9  }
0xb1: {  	_ =	task.clear_ibuf [dreg:s7], $0x6FFFF;
	_ =	strace $0x90000046  }
0xb2: {  	s26 =	simm.s32 $0x9;
	_ =	strace $0x80000048  }
0xb3: {  	_ =	swait.ge [sflag:s26], $0x1  }
0xb4: {  	[sflag:s26] =	ssyncadd.s32 $0xFFFFFFFF  }
0xb5: {  	_ =	strace $0x90000048  }
0xb6: {  	_ =	sfence  }
0xb7: {  	s28 =	sld [smem:$0x0];
	_ =	sdelay $0x1  }
0xb8: {  	s29 =	srdreg.scid  }
0xb9: {  	s30 =	sshll.u32 s29, $0xD;
	s31 =	sshrl.u32 s29, $0x2  }
0xba: {  	s1 =	sand.u32 $0x1, s29;
	s2 =	sand.u32 $0x4000, s30;
	s0 =	sadd.s32 s31, s28  }
0xbb: {  	s1 =	sor.u32 s2, s1;
	s0 =	sshll.u32 s0, $0x11  }
0xbc: {  	s0 =	sor.u32 s0, s1  }
0xbd: {  	s0 =	sadd.s32 $0x8F2B, s0  }
0xbe: {  	[sflag:s0] =	ssyncadd.remote.s32 $0x1  }
0xbf: {  	_ =	sfence.sel $0xFFFF  }
0xc0: {  	[dreg:$0x0] =	wrdreg $0xFFFFFFFF;
	(pc) =	sbr.abs _section_cstart, $3  }
0xc1: {  	[dreg:$0x1] =	wrdreg $0xFFFFFFFF  }
0xc2: {  	_ =	task.clear_ibuf [dreg:s7], $0x2FFFF;
	_ =	strace $0x9FFFFFFF  }
0xc3: {  	(tm) =	ssettm $0x7FFFFFFF  }
tec
execute0_lowered:
.L_overlay_start_1:
0x0: {  	(tag) =	ssettag $0x1  }
0x1: {  	s4 =	rddreg [dreg:$0x0]  }
0x2: {  	s5 =	rddreg [dreg:$0x1]  }
0x3: {  	s2 =	rddreg [dreg:$0x2];
	s6 =	simm.s32 $0x0;
	s1 =	stileid.u32  }
0x4: {  	[smem:$0x7FF] =	sst s6;
	s3 =	sshll.u32 s1, $0x7  }
0x5: {  	s0 =	rddreg [dreg:$0x3];
	_ =	strace $0x80000047;
	s4 =	sadd.s32 s4, s3  }
0x6: {  	[tilespmem:s6], [sflag:$0x1] =	stream.linear.gather [hbm4b:s4+s6], $0x400, $0x38;
	[tilespmem:$0xC00] =	vst v63  }
0x7: {  	s26 =	simm.s32 $0x1;
	s4 =	simm.s32 $0x400  }
0x8: {  	[tilespmem:s4], [sflag:$0x2] =	stream.linear.gather [hbm4b:s5+s6], $0x400, $0x38;
	[tilespmem:$0xC00] =	vst v63  }
0x9: {  	_ =	swait.ge [sflag:s26], $0x400  }
0xa: {  	[sflag:s26] =	ssyncset.done $0x0  }
0xb: {  	s28 =	simm.s32 $0x2;
	[sflag:s26] =	ssyncadd.s32 $0xFFFFFC00  }
0xc: {  	_ =	swait.ge [sflag:s28], $0x400  }
0xd: {  	[sflag:s28] =	ssyncset.done $0x0  }
0xe: {  	s29 =	simm.s32 $0x20;
	[sflag:s28] =	ssyncadd.s32 $0xFFFFFC00  }
0xf: {  	v0 =	vld [tilespmem:s29+$0x10]  }
0x10: {  	v1 =	vld [tilespmem:s29+$0xFFFFFFF0]  }
0x11: {  	v3 =	vld [tilespmem:s29+$0xFFFFFFE0]  }
0x12: {  	v2 =	vld [tilespmem:s29+$0x0];
	_ =	sdelay $0x2  }
0x13: {  	v0 =	vmul.f32 $1.000000000e+03, v0;
	v1 =	vmul.f32 $1.000000000e+03, v1  }
0x14: {  	v3 =	vmul.f32 $1.000000000e+03, v3  }
0x15: {  	s30 =	simm.s32 $0x60;
	v2 =	vmul.f32 $1.000000000e+03, v2;
	v0 =	vadd.f32 $5.000000000e-01, v0;
	v1 =	vadd.f32 $5.000000000e-01, v1  }
0x16: {  	v7 =	vld [tilespmem:s30+$0x10];
	v3 =	vadd.f32 $5.000000000e-01, v3  }
0x17: {  	v12 =	vld [tilespmem:s30+$0xFFFFFFE0];
	v2 =	vadd.f32 $5.000000000e-01, v2;
	v4 =	vtrunc.f32 v0;
	v5 =	vtrunc.f32 v1  }
0x18: {  	v9 =	vtrunc.f32 v3;
	v6 =	vcvt.f32.s32 v4  }
0x19: {  	v8 =	vcvt.f32.s32 v5;
	vm0 =	veq.f32 v1, v5;
	v1 =	vtrunc.f32 v2  }
0x1a: {  	v5 =	vld [tilespmem:s30+$0xFFFFFFF0];
	vm1 =	veq.f32 v0, v4;
	v10 =	vcvt.f32.s32 v9;
	vm11 =	veq.f32 v3, v9  }
0x1b: {  	v4 =	vld [tilespmem:s30+$0x0];
	v11 =	vcvt.f32.s32 v1;
	vm2 =	veq.f32 v2, v1;
	v2 =	vmul.f32 $1.000000000e+03, v7  }
0x1c: {  	v7 =	vmul.f32 $1.000000000e+03, v12;
	v0 =	vand.u32 $0x1, v6;
	v3 =	vand.u32 $0x1, v8  }
0x1d: {  	v0 =	vnsel vm1, $0x0, v0;
	v1 =	vand.u32 $0x1, v11;
	v3 =	vnsel vm0, $0x0, v3  }
0x1e: {  	v2 =	vadd.f32 $5.000000000e-01, v2;
	v7 =	vadd.f32 $5.000000000e-01, v7;
	v0 =	vsub.s32 v6, v0  }
0x1f: {  	v6 =	vand.u32 $0x1, v10;
	v1 =	vnsel vm2, $0x0, v1;
	v5 =	vmul.f32 $1.000000000e+03, v5  }
0x20: {  	v3 =	vsub.s32 v8, v3;
	v6 =	vnsel vm11, $0x0, v6;
	v4 =	vmul.f32 $1.000000000e+03, v4  }
0x21: {  	s31 =	simm.s32 $0xA0;
	v8 =	vsub.s32 v11, v1;
	v13 =	vtrunc.f32 v7;
	v5 =	vadd.f32 $5.000000000e-01, v5  }
0x22: {  	v11 =	vld [tilespmem:s31+$0x10];
	v6 =	vsub.s32 v10, v6;
	v1 =	vadd.f32 $5.000000000e-01, v4;
	v4 =	vtrunc.f32 v2  }
0x23: {  	v10 =	vcvt.f32.s32 v4;
	vm13 =	veq.f32 v2, v4;
	v4 =	vld [tilespmem:s31+$0x0];
	v9 =	vtrunc.f32 v5  }
0x24: {  	v14 =	vcvt.f32.s32 v13;
	v12 =	vcvt.f32.s32 v9;
	vm12 =	veq.f32 v5, v9;
	v9 =	vld [tilespmem:s31+$0xFFFFFFF0]  }
0x25: {  	v16 =	vld [tilespmem:s31+$0xFFFFFFE0];
	vm14 =	veq.f32 v7, v13;
	v5 =	vtrunc.f32 v1;
	v2 =	vand.u32 $0x1, v10  }
0x26: {  	v13 =	vld.idx.msk [tilespmem:v0+s4+$0x0], $0xffff;
	v0 =	vand.u32 $0x1, v14;
	v15 =	vcvt.f32.s32 v5;
	v2 =	vnsel vm13, $0x0, v2  }
0x27: {  	v0 =	vnsel vm14, $0x0, v0;
	vm15 =	veq.f32 v1, v5;
	v17 =	vsub.s32 v10, v2  }
0x28: {  	v18 =	vld.idx.msk [tilespmem:v6+s4+$0x0], $0xffff;
	v7 =	vand.u32 $0x1, v12;
	v2 =	vmul.f32 $1.000000000e+03, v11;
	v1 =	vand.u32 $0x1, v15  }
0x29: {  	v3 =	vld.idx.msk [tilespmem:v3+s4+$0x0], $0xffff;
	v5 =	vnsel vm12, $0x0, v7;
	v4 =	vmul.f32 $1.000000000e+03, v4;
	v6 =	vmul.f32 $1.000000000e+03, v9  }
0x2a: {  	v7 =	vadd.f32 $5.000000000e-01, v2;
	v9 =	vnsel vm15, $0x0, v1;
	v1 =	vsub.s32 v12, v5;
	v5 =	vld.idx.msk [tilespmem:v8+s4+$0x0], $0xffff  }
0x2b: {  	s5 =	simm.s32 $0x820;
	v0 =	vsub.s32 v14, v0;
	v12 =	vmul.f32 $1.000000000e+03, v16;
	v10 =	vadd.f32 $5.000000000e-01, v6  }
0x2c: {  	[tilespmem:s5+$0x10] =	vst v13;
	v2 =	vsub.s32 v15, v9;
	v11 =	vtrunc.f32 v7;
	v6 =	vadd.f32 $5.000000000e-01, v4;
	v4 =	vld.idx.msk [tilespmem:v17+s4+$0x0], $0xffff  }
0x2d: {  	s7 =	simm.s32 $0xE0;
	s6 =	simm.s32 $0x80;
	[tilespmem:s5+$0xFFFFFFE0] =	vst v18;
	v9 =	vadd.f32 $5.000000000e-01, v12;
	v8 =	vcvt.f32.s32 v11;
	v12 =	vtrunc.f32 v10  }
.LBB2_1:
0x2e: {  	v13 =	vld [tilespmem:s7+$0x10];
	s6 =	sadd.s32 $0x40, s6;
	v14 =	vcvt.f32.s32 v12;
	vm0 =	veq.f32 v10, v12;
	v10 =	vtrunc.f32 v6;
	[tilespmem:s5+$0xFFFFFFF0] =	vst v3  }
0x2f: {  	vm1 =	veq.f32 v7, v11;
	v12 =	vld [tilespmem:s7+$0xFFFFFFF0];
	p0 =	slt.u32 s6, $0x1C0;
	v3 =	vtrunc.f32 v9;
	v7 =	vand.u32 $0x1, v8;
	[tilespmem:s5+$0x0] =	vst v5  }
0x30: {  	v15 =	vcvt.f32.s32 v10;
	s5 =	sadd.s32 $0x40, s5;
	v11 =	vld [tilespmem:s7+$0x0];
	v5 =	vcvt.f32.s32 v3;
	v7 =	vnsel vm1, $0x0, v7  }
0x31: {  	vm1 =	veq.f32 v9, v3;
	v3 =	vand.u32 $0x1, v14;
	v16 =	vld [tilespmem:s7+$0xFFFFFFE0];
	v8 =	vsub.s32 v8, v7;
	[tilespmem:s5+$0x10] =	vst v4  }
0x32: {  	vm2 =	veq.f32 v6, v10;
	v6 =	vand.u32 $0x1, v15;
	v4 =	vand.u32 $0x1, v5;
	v17 =	vld.idx.msk [tilespmem:v0+s4+$0x0], $0xffff  }
0x33: {  	v7 =	vmul.f32 $1.000000000e+03, v13;
	v0 =	vnsel vm1, $0x0, v4;
	v4 =	vnsel vm0, $0x0, v3;
	v3 =	vld.idx.msk [tilespmem:v1+s4+$0x0], $0xffff  }
.Ltmp0:
0x34: {  	v6 =	vnsel vm2, $0x0, v6;
	v9 =	vmul.f32 $1.000000000e+03, v12;
	v0 =	vsub.s32 v5, v0;
	v5 =	vld.idx.msk [tilespmem:v2+s4+$0x0], $0xffff;
	(pc) =	sbr.rel @p0 .LBB2_1-.Ltmp0, $4  }
0x35: {  	v1 =	vsub.s32 v14, v4;
	v11 =	vmul.f32 $1.000000000e+03, v11;
	v7 =	vadd.f32 $5.000000000e-01, v7  }
0x36: {  	v2 =	vsub.s32 v15, v6;
	v12 =	vmul.f32 $1.000000000e+03, v16;
	v10 =	vadd.f32 $5.000000000e-01, v9;
	v4 =	vld.idx.msk [tilespmem:v8+s4+$0x0], $0xffff  }
0x37: {  	v6 =	vadd.f32 $5.000000000e-01, v11;
	v11 =	vtrunc.f32 v7  }
0x38: {  	s7 =	sadd.s32 $0x40, s7;
	v9 =	vadd.f32 $5.000000000e-01, v12;
	v12 =	vtrunc.f32 v10;
	v8 =	vcvt.f32.s32 v11;
	[tilespmem:s5+$0xFFFFFFE0] =	vst v17  }
0x39: {  	v13 =	vcvt.f32.s32 v12;
	v14 =	vtrunc.f32 v6;
	vm0 =	veq.f32 v7, v11  }
0x3a: {  	vm1 =	veq.f32 v10, v12;
	v15 =	vtrunc.f32 v9;
	v7 =	vand.u32 $0x1, v8  }
0x3b: {  	v10 =	vcvt.f32.s32 v14;
	vm2 =	veq.f32 v6, v14;
	v11 =	vcvt.f32.s32 v15  }
0x3c: {  	v7 =	vnsel vm0, $0x0, v7;
	vm7 =	veq.f32 v9, v15;
	v9 =	vand.u32 $0x1, v13  }
0x3d: {  	v7 =	vsub.s32 v8, v7;
	v8 =	vand.u32 $0x1, v10;
	v9 =	vnsel vm1, $0x0, v9  }
0x3e: {  	v0 =	vld.idx.msk [tilespmem:v0+s4+$0x0], $0xffff;
	v12 =	vand.u32 $0x1, v11;
	v8 =	vnsel vm2, $0x0, v8;
	v9 =	vsub.s32 v13, v9  }
0x3f: {  	v1 =	vld.idx.msk [tilespmem:v1+s4+$0x0], $0xffff;
	v6 =	vnsel vm7, $0x0, v12;
	v8 =	vsub.s32 v10, v8  }
0x40: {  	v6 =	vsub.s32 v11, v6  }
0x41: {  	[tilespmem:s5+$0xFFFFFFF0] =	vst v3;
	v2 =	vld.idx.msk [tilespmem:v2+s4+$0x0], $0xffff  }
0x42: {  	[tilespmem:s5+$0x0] =	vst v5;
	s24 =	sadd.s32 $0x40, s5;
	v3 =	vld.idx.msk [tilespmem:v7+s4+$0x0], $0xffff  }
0x43: {  	[tilespmem:s24+$0xFFFFFFE0] =	vst v0;
	v0 =	vld.idx.msk [tilespmem:v9+s4+$0x0], $0xffff  }
0x44: {  	[tilespmem:s24+$0xFFFFFFF0] =	vst v1;
	v1 =	vld.idx.msk [tilespmem:v8+s4+$0x0], $0xffff  }
0x45: {  	[tilespmem:s24+$0x10] =	vst v4;
	v4 =	vld.idx.msk [tilespmem:v6+s4+$0x0], $0xffff  }
0x46: {  	s25 =	sadd.s32 $0x40, s24;
	[tilespmem:s24+$0x0] =	vst v2  }
0x47: {  	[tilespmem:s25+$0x10] =	vst v3  }
0x48: {  	[tilespmem:s25+$0xFFFFFFF0] =	vst v0  }
0x49: {  	s26 =	sadd.s32 s2, s3;
	[tilespmem:s25+$0x0] =	vst v1  }
0x4a: {  	s28 =	simm.s32 $0x0;
	s6 =	simm.s32 $0x800;
	s29 =	simm.s32 $0x230;
	[tilespmem:s25+$0xFFFFFFE0] =	vst v4  }
0x4b: {  	[hbm4b:s26+s28] =	stream.linear.scatter [tilespmem:s6], [sflag:$0x3], $0x200, $0x38;
	[tilespmem:$0xC00] =	vst v63  }
0x4c: {  	v0 =	vld [tilespmem:s29+$0x0]  }
0x4d: {  	v1 =	vld [tilespmem:s29+$0xFFFFFFE0]  }
0x4e: {  	v3 =	vld [tilespmem:s29+$0xFFFFFFD0]  }
0x4f: {  	v2 =	vld [tilespmem:s29+$0xFFFFFFF0];
	_ =	sdelay $0x2  }
0x50: {  	v0 =	vmul.f32 $1.000000000e+03, v0;
	v1 =	vmul.f32 $1.000000000e+03, v1  }
0x51: {  	v3 =	vmul.f32 $1.000000000e+03, v3  }
0x52: {  	s30 =	simm.s32 $0x270;
	v2 =	vmul.f32 $1.000000000e+03, v2;
	v0 =	vadd.f32 $5.000000000e-01, v0;
	v1 =	vadd.f32 $5.000000000e-01, v1  }
0x53: {  	v7 =	vld [tilespmem:s30+$0x0];
	v3 =	vadd.f32 $5.000000000e-01, v3  }
0x54: {  	v12 =	vld [tilespmem:s30+$0xFFFFFFD0];
	v2 =	vadd.f32 $5.000000000e-01, v2;
	v4 =	vtrunc.f32 v0;
	v5 =	vtrunc.f32 v1  }
0x55: {  	v9 =	vtrunc.f32 v3;
	v6 =	vcvt.f32.s32 v4  }
0x56: {  	v8 =	vcvt.f32.s32 v5;
	vm8 =	veq.f32 v1, v5;
	v1 =	vtrunc.f32 v2  }
0x57: {  	v5 =	vld [tilespmem:s30+$0xFFFFFFE0];
	vm9 =	veq.f32 v0, v4;
	v10 =	vcvt.f32.s32 v9;
	vm10 =	veq.f32 v3, v9  }
0x58: {  	v4 =	vld [tilespmem:s30+$0xFFFFFFF0];
	v11 =	vcvt.f32.s32 v1;
	vm11 =	veq.f32 v2, v1;
	v2 =	vmul.f32 $1.000000000e+03, v7  }
0x59: {  	v7 =	vmul.f32 $1.000000000e+03, v12;
	v0 =	vand.u32 $0x1, v6;
	v3 =	vand.u32 $0x1, v8  }
0x5a: {  	v0 =	vnsel vm9, $0x0, v0;
	v1 =	vand.u32 $0x1, v11;
	v3 =	vnsel vm8, $0x0, v3  }
0x5b: {  	v2 =	vadd.f32 $5.000000000e-01, v2;
	v7 =	vadd.f32 $5.000000000e-01, v7;
	v0 =	vsub.s32 v6, v0  }
0x5c: {  	v6 =	vand.u32 $0x1, v10;
	v1 =	vnsel vm11, $0x0, v1;
	v5 =	vmul.f32 $1.000000000e+03, v5  }
0x5d: {  	v3 =	vsub.s32 v8, v3;
	v6 =	vnsel vm10, $0x0, v6;
	v4 =	vmul.f32 $1.000000000e+03, v4  }
0x5e: {  	s31 =	simm.s32 $0x2B0;
	v8 =	vsub.s32 v11, v1;
	v13 =	vtrunc.f32 v7;
	v5 =	vadd.f32 $5.000000000e-01, v5  }
0x5f: {  	v11 =	vld [tilespmem:s31+$0x0];
	v6 =	vsub.s32 v10, v6;
	v1 =	vadd.f32 $5.000000000e-01, v4;
	v4 =	vtrunc.f32 v2  }
0x60: {  	v10 =	vcvt.f32.s32 v4;
	vm13 =	veq.f32 v2, v4;
	v4 =	vld [tilespmem:s31+$0xFFFFFFF0];
	v9 =	vtrunc.f32 v5  }
0x61: {  	v14 =	vcvt.f32.s32 v13;
	v12 =	vcvt.f32.s32 v9;
	vm12 =	veq.f32 v5, v9;
	v9 =	vld [tilespmem:s31+$0xFFFFFFE0]  }
0x62: {  	s4 =	simm.s32 $0x400;
	v16 =	vld [tilespmem:s31+$0xFFFFFFD0];
	vm14 =	veq.f32 v7, v13;
	v5 =	vtrunc.f32 v1;
	v2 =	vand.u32 $0x1, v10  }
0x63: {  	v13 =	vld.idx.msk [tilespmem:v0+s4+$0x0], $0xffff;
	v0 =	vand.u32 $0x1, v14;
	v15 =	vcvt.f32.s32 v5;
	v2 =	vnsel vm13, $0x0, v2  }
0x64: {  	v0 =	vnsel vm14, $0x0, v0;
	vm15 =	veq.f32 v1, v5;
	v17 =	vsub.s32 v10, v2  }
0x65: {  	v18 =	vld.idx.msk [tilespmem:v6+s4+$0x0], $0xffff;
	v7 =	vand.u32 $0x1, v12;
	v2 =	vmul.f32 $1.000000000e+03, v11;
	v1 =	vand.u32 $0x1, v15  }
0x66: {  	v3 =	vld.idx.msk [tilespmem:v3+s4+$0x0], $0xffff;
	v5 =	vnsel vm12, $0x0, v7;
	v4 =	vmul.f32 $1.000000000e+03, v4;
	v6 =	vmul.f32 $1.000000000e+03, v9  }
0x67: {  	v7 =	vadd.f32 $5.000000000e-01, v2;
	v9 =	vnsel vm15, $0x0, v1;
	v1 =	vsub.s32 v12, v5;
	v5 =	vld.idx.msk [tilespmem:v8+s4+$0x0], $0xffff  }
0x68: {  	s5 =	simm.s32 $0xA30;
	v0 =	vsub.s32 v14, v0;
	v12 =	vmul.f32 $1.000000000e+03, v16;
	v10 =	vadd.f32 $5.000000000e-01, v6  }
0x69: {  	[tilespmem:s5+$0x0] =	vst v13;
	v2 =	vsub.s32 v15, v9;
	v11 =	vtrunc.f32 v7;
	v6 =	vadd.f32 $5.000000000e-01, v4;
	v4 =	vld.idx.msk [tilespmem:v17+s4+$0x0], $0xffff  }
0x6a: {  	s7 =	simm.s32 $0x2F0;
	s6 =	simm.s32 $0x280;
	[tilespmem:s5+$0xFFFFFFD0] =	vst v18;
	v8 =	vadd.f32 $5.000000000e-01, v12;
	v9 =	vcvt.f32.s32 v11;
	v12 =	vtrunc.f32 v10  }
.LBB2_3:
0x6b: {  	v13 =	vld [tilespmem:s7+$0x0];
	s6 =	sadd.s32 $0x40, s6;
	v14 =	vcvt.f32.s32 v12;
	vm0 =	veq.f32 v10, v12;
	v10 =	vtrunc.f32 v6;
	[tilespmem:s5+$0xFFFFFFE0] =	vst v3  }
0x6c: {  	vm1 =	veq.f32 v7, v11;
	v12 =	vld [tilespmem:s7+$0xFFFFFFE0];
	p0 =	slt.u32 s6, $0x3C0;
	v3 =	vtrunc.f32 v8;
	v7 =	vand.u32 $0x1, v9;
	[tilespmem:s5+$0xFFFFFFF0] =	vst v5  }
0x6d: {  	v15 =	vcvt.f32.s32 v10;
	s5 =	sadd.s32 $0x40, s5;
	v11 =	vld [tilespmem:s7+$0xFFFFFFF0];
	v5 =	vcvt.f32.s32 v3;
	v7 =	vnsel vm1, $0x0, v7  }
0x6e: {  	vm1 =	veq.f32 v8, v3;
	v3 =	vand.u32 $0x1, v14;
	v16 =	vld [tilespmem:s7+$0xFFFFFFD0];
	v8 =	vsub.s32 v9, v7;
	[tilespmem:s5+$0x0] =	vst v4  }
0x6f: {  	vm2 =	veq.f32 v6, v10;
	v6 =	vand.u32 $0x1, v15;
	v4 =	vand.u32 $0x1, v5;
	v17 =	vld.idx.msk [tilespmem:v0+s4+$0x0], $0xffff  }
0x70: {  	v7 =	vmul.f32 $1.000000000e+03, v13;
	v0 =	vnsel vm1, $0x0, v4;
	v4 =	vnsel vm0, $0x0, v3;
	v3 =	vld.idx.msk [tilespmem:v1+s4+$0x0], $0xffff  }
.Ltmp1:
0x71: {  	v6 =	vnsel vm2, $0x0, v6;
	v9 =	vmul.f32 $1.000000000e+03, v12;
	v0 =	vsub.s32 v5, v0;
	v5 =	vld.idx.msk [tilespmem:v2+s4+$0x0], $0xffff;
	(pc) =	sbr.rel @p0 .LBB2_3-.Ltmp1, $4  }
0x72: {  	v1 =	vsub.s32 v14, v4;
	v11 =	vmul.f32 $1.000000000e+03, v11;
	v7 =	vadd.f32 $5.000000000e-01, v7  }
0x73: {  	v2 =	vsub.s32 v15, v6;
	v12 =	vmul.f32 $1.000000000e+03, v16;
	v10 =	vadd.f32 $5.000000000e-01, v9;
	v4 =	vld.idx.msk [tilespmem:v8+s4+$0x0], $0xffff  }
0x74: {  	v6 =	vadd.f32 $5.000000000e-01, v11;
	v11 =	vtrunc.f32 v7  }
0x75: {  	s7 =	sadd.s32 $0x40, s7;
	v8 =	vadd.f32 $5.000000000e-01, v12;
	v12 =	vtrunc.f32 v10;
	v9 =	vcvt.f32.s32 v11;
	[tilespmem:s5+$0xFFFFFFD0] =	vst v17  }
0x76: {  	v13 =	vcvt.f32.s32 v12;
	vm0 =	veq.f32 v10, v12;
	vm1 =	veq.f32 v7, v11  }
0x77: {  	v55 =	vtrunc.f32 v6;
	v52 =	vtrunc.f32 v8;
	v53 =	vand.u32 $0x1, v9  }
0x78: {  	v56 =	vcvt.f32.s32 v55;
	vm2 =	veq.f32 v6, v55;
	v54 =	vcvt.f32.s32 v52  }
0x79: {  	v7 =	vnsel vm1, $0x0, v53;
	vm15 =	veq.f32 v8, v52;
	v58 =	vand.u32 $0x1, v13  }
0x7a: {  	v7 =	vsub.s32 v9, v7;
	v59 =	vand.u32 $0x1, v56;
	v6 =	vnsel vm0, $0x0, v58  }
0x7b: {  	v57 =	vand.u32 $0x1, v54;
	v10 =	vnsel vm2, $0x0, v59;
	v6 =	vsub.s32 v13, v6  }
0x7c: {  	v0 =	vld.idx.msk [tilespmem:v0+s4+$0x0], $0xffff;
	v9 =	vnsel vm15, $0x0, v57;
	v8 =	vsub.s32 v56, v10  }
0x7d: {  	v1 =	vld.idx.msk [tilespmem:v1+s4+$0x0], $0xffff;
	v9 =	vsub.s32 v54, v9  }
0x7e: {  	[tilespmem:s5+$0xFFFFFFE0] =	vst v3;
	v2 =	vld.idx.msk [tilespmem:v2+s4+$0x0], $0xffff  }
0x7f: {  	[tilespmem:s5+$0xFFFFFFF0] =	vst v5;
	s25 =	sadd.s32 $0x40, s5;
	v60 =	vld.idx.msk [tilespmem:v7+s4+$0x0], $0xffff  }
0x80: {  	[tilespmem:s25+$0x0] =	vst v4;
	v62 =	vld.idx.msk [tilespmem:v6+s4+$0x0], $0xffff  }
0x81: {  	[tilespmem:s25+$0xFFFFFFD0] =	vst v0;
	v63 =	vld.idx.msk [tilespmem:v8+s4+$0x0], $0xffff  }
0x82: {  	[tilespmem:s25+$0xFFFFFFE0] =	vst v1;
	v61 =	vld.idx.msk [tilespmem:v9+s4+$0x0], $0xffff  }
0x83: {  	s26 =	sadd.s32 $0x40, s25;
	[tilespmem:s25+$0xFFFFFFF0] =	vst v2  }
0x84: {  	[tilespmem:s26+$0x0] =	vst v60  }
0x85: {  	[tilespmem:s26+$0xFFFFFFE0] =	vst v62  }
0x86: {  	s2 =	sadd.s32 s3, s2;
	s28 =	simm.s32 $0x0;
	[tilespmem:s26+$0xFFFFFFF0] =	vst v63  }
0x87: {  	s29 =	simm.s32 $0xA00;
	s30 =	simm.s32 $0x3;
	s2 =	sadd.s32 $0x40, s2;
	[tilespmem:s26+$0xFFFFFFD0] =	vst v61  }
0x88: {  	[hbm4b:s2+s28] =	stream.linear.scatter [tilespmem:s29], [sflag:$0x4], $0x200, $0x38;
	[tilespmem:$0xC00] =	vst v63  }
0x89: {  	_ =	swait.ge [sflag:s30], $0x200  }
0x8a: {  	[sflag:s30] =	ssyncset.done $0x0  }
0x8b: {  	s31 =	simm.s32 $0x4;
	[sflag:s30] =	ssyncadd.s32 $0xFFFFFE00  }
0x8c: {  	_ =	swait.ge [sflag:s31], $0x200  }
0x8d: {  	[sflag:s31] =	ssyncset.done $0x0  }
0x8e: {  	[sflag:s31] =	ssyncadd.s32 $0xFFFFFE00  }
0x8f: {  	_ =	sfence.sel $0x180000  }
0x90: {  	[bflag:$0x0] =	sbarrier.arrive $0xFFFF  }
0x91: {  	p0 =	sne.s32 s1, $0x0;
	_ =	strace $0x90000047  }
0x92: {  	s0 =	sadd.s32 @!p0 $0x100000, s0;
	[bflag:$0x2] =	sbarrier.arrive $0xFFFF  }
0x93: {  	[sflag:s0] =	ssyncadd.tile.s32 @!p0 $0x1;
	_ =	shalt  }
.Lfunc_end2:
_tile_overlayer_lowered:
.L_overlay_start_2:
0x94: {  	(tag) =	ssettag $0x2  }
0x95: {  	s0 =	rddreg [dreg:$0x0];
	s2 =	stileid.u32  }
0x96: {  	s1 =	rddreg [dreg:$0x1];
	p0 =	sne.s32 s2, $0x0  }
0x97: {  	s3 =	rddreg [dreg:$0x2];
	[bflag:$0x3] =	sbarrier.arrive $0xFFFF;
	s2 =	simm.s32 @!p0 $0x1C05  }
0x98: {  	[timem:s3], [sflag:s2] =	dma.local @!p0 [hbm:s0], s1  }
0x99: {  	s0 =	simm.s32 @!p0 $0x5  }
0x9a: {  	_ =	swait.ge @!p0 [sflag:s0], s1  }
0x9b: {  	s1 =	ssub.s32 @!p0 $0x0, s1;
	[sflag:s0] =	ssyncset.done @!p0 $0x0  }
0x9c: {  	[sflag:s0] =	ssyncadd.s32 @!p0 s1  }
0x9d: {  	[bflag:$0x3] =	sbarrier.arrive $0xFFFF  }
0x9e: {  	_ =	shalt  }

</sc_bundles>
